<compile_context>
chip_gen: v7x
topology: tpu7x:2x2x1
jax: 0.10.2.dev20260603
libtpu: 0.0.44.dev20260713+nightly
codegen_flags: <defaults>
</compile_context>

<pallas_src>
import functools
import math

import jax
import jax.numpy as jnp
from jax import lax
from jax.experimental import pallas as pl
from jax.experimental.pallas import tpu as pltpu
from jax.experimental.pallas import tpu_sc as plsc

_NC = 2
_NS = 16
_NW = _NC * _NS

_VOCAB = 100000
_D = 1024
_NTOK = 4 * 4096
_B_PER_W = _NTOK // _NW
_CHUNK = 64
_NCHUNK = _B_PER_W // _CHUNK


def _gather_body(table_hbm, idx_hbm, out_hbm, idx_v, buf_v, sem):
    c = lax.axis_index("c")
    s = lax.axis_index("s")
    wid = s * _NC + c
    base = wid * _B_PER_W
    pltpu.sync_copy(idx_hbm.at[pl.ds(base, _B_PER_W)], idx_v)

    def body(g, carry):
        off = g * _CHUNK
        pltpu.async_copy(
            table_hbm.at[idx_v.at[pl.ds(off, _CHUNK)]], buf_v, sem
        ).wait()
        pltpu.sync_copy(buf_v, out_hbm.at[pl.ds(base + off, _CHUNK)])
        return carry

    lax.fori_loop(0, _NCHUNK, body, 0)


_gather = functools.partial(
    pl.kernel,
    mesh=plsc.VectorSubcoreMesh(core_axis_name="c", subcore_axis_name="s"),
    out_type=jax.ShapeDtypeStruct((_NTOK, _D), jnp.float32),
    scratch_types=[
        pltpu.VMEM((_B_PER_W,), jnp.int32),
        pltpu.VMEM((_CHUNK, _D), jnp.float32),
        pltpu.SemaphoreType.DMA,
    ],
)(_gather_body)


def _mlp_body(sigma_ref, wpre_ref, bpre_ref, wpos_ref, bpos_ref, out_ref):
    d_freq = wpre_ref.shape[0]
    half = d_freq // 2
    b = sigma_ref.shape[0]
    freqs = jnp.exp(
        (-math.log(10000.0) / half)
        * lax.broadcasted_iota(jnp.int32, (b, half), 1).astype(jnp.float32)
    )
    args = sigma_ref[:] * freqs
    t_freq = jnp.concatenate([jnp.cos(args), jnp.sin(args)], axis=-1)
    h = jnp.dot(t_freq, wpre_ref[:], preferred_element_type=jnp.float32)
    h = h + bpre_ref[:][None, :]
    h = h * jax.nn.sigmoid(h)
    h = jnp.dot(h, wpos_ref[:], preferred_element_type=jnp.float32)
    h = h + bpos_ref[:][None, :]
    out_ref[:] = h * jax.nn.sigmoid(h)


def _mlp(sigma, W_pre, b_pre, W_pos, b_pos):
    b = sigma.shape[0]
    d_model = W_pre.shape[1]
    return pl.pallas_call(
        _mlp_body,
        out_shape=jax.ShapeDtypeStruct((b, d_model), jnp.float32),
    )(sigma.reshape(b, 1), W_pre, b_pre, W_pos, b_pos)


def kernel(x, sigma, is_training, emb_table, W_pre, b_pre, W_pos, b_pos):
    idx = x.reshape(-1).astype(jnp.int32)
    y = _gather(emb_table, idx).reshape(x.shape + (emb_table.shape[1],))
    sigma_emb = _mlp(sigma, W_pre, b_pre, W_pos, b_pos)
    return (y, sigma_emb)

# --- scband reference (transcript-rebuilt; emitter-appended) ---
"""Pipeline reference for scband-input-layer-26645977105187 (READ-ONLY COPY).

The authoritative reference and input builder live on the scoring server;
editing this copy changes nothing except your own understanding.
"""

import jax, jax.numpy as jnp
import numpy as np
import math

VOCAB = 100000
D_MODEL = 1024
D_FREQ = 256
B = 4
S = 4096


def timestep_embedding(t, dim, max_period=10000):
    half = dim // 2
    freqs = jnp.exp(-math.log(max_period) * jnp.arange(half, dtype=jnp.float32) / half)
    args = t[:, None].astype(jnp.float32) * freqs[None]
    embedding = jnp.concatenate([jnp.cos(args), jnp.sin(args)], axis=-1)
    if dim % 2:
        embedding = jnp.concatenate([embedding, jnp.zeros_like(embedding[:, :1])], axis=-1)
    return embedding


def setup_inputs(seed: int = 0) -> dict:
    key = jax.random.key(seed)
    ks = jax.random.split(key, 6)
    x = jax.random.randint(ks[0], (B, S), 0, VOCAB, dtype=jnp.int32).astype(jnp.int64) if jax.config.jax_enable_x64 else jax.random.randint(ks[0], (B, S), 0, VOCAB, dtype=jnp.int32)
    sigma = jax.random.uniform(ks[1], (B,), dtype=jnp.float32)
    emb_table = jax.random.normal(ks[2], (VOCAB, D_MODEL), dtype=jnp.float32) * 0.02
    W_pre = jax.random.normal(ks[3], (D_FREQ, D_MODEL), dtype=jnp.float32) * (1.0 / np.sqrt(D_FREQ))
    b_pre = jnp.zeros((D_MODEL,), dtype=jnp.float32)
    W_pos = jax.random.normal(ks[4], (D_MODEL, D_MODEL), dtype=jnp.float32) * (1.0 / np.sqrt(D_MODEL))
    b_pos = jnp.zeros((D_MODEL,), dtype=jnp.float32)
    return {"x": x, "sigma": sigma, "is_training": False, "emb_table": emb_table, "W_pre": W_pre, "b_pre": b_pre, "W_pos": W_pos, "b_pos": b_pos}


def reference(x, sigma, is_training, emb_table, W_pre, b_pre, W_pos, b_pos):
    # token embedding lookup (hk.Embed)
    y = jnp.take(emb_table, x, axis=0)
    # is_training=False -> dropout is identity (inference path)
    # TimestepEmbedder
    t_freq = timestep_embedding(sigma, D_FREQ)
    h = jax.nn.silu(t_freq @ W_pre + b_pre)
    h = h @ W_pos + b_pos
    sigma_emb = jax.nn.silu(h)
    return (y, sigma_emb)

if __name__ == "__main__":
    import jax
    _d = setup_inputs()
    print(jax.jit(kernel)(*tuple(_d.values())))

</pallas_src>

<mosaic_0001>
#map = affine_map<(d0, d1) -> (0, 0)>
#map1 = affine_map<(d0, d1) -> (0)>
module attributes {stable_mosaic.version = 14 : i64} {
  func.func @_gather_body(%arg0: i32, %arg1: i32, %arg2: memref<100000x1024xf32, #tpu.memory_space<hbm>>, %arg3: memref<16384xi32, #tpu.memory_space<hbm>>, %arg4: memref<16384x1024xf32, #tpu.memory_space<hbm>>, %arg5: memref<512xi32, #tpu.memory_space<vmem>>, %arg6: memref<64x1024xf32, #tpu.memory_space<vmem>>, %arg7: memref<!tpu.dma_semaphore, #tpu.memory_space<semaphore_mem>>) attributes {dimension_semantics = [#tpu.dimension_semantics<core_parallel>, #tpu.dimension_semantics<subcore_parallel>], iteration_bounds = array<i64: 2, 16>, scalar_prefetch = 0 : i64, scratch_operands = 3 : i64, tpu.core_type = #tpu.core_type<sc_vector_subcore>, window_params = [{transform_indices = #map}, {transform_indices = #map1}, {transform_indices = #map}]} {
    %mul3A = arith.constant 2 : i32
    %mul3A_0 = arith.muli %arg1, %mul3A : i32
    %add3A = arith.addi %mul3A_0, %arg0 : i32
    %mul3A_1 = arith.constant 512 : i32
    %mul3A_2 = arith.muli %add3A, %mul3A_1 : i32
    "tpu.region"() ({
      %run_scoped3A = tpu.sem_alloc : memref<!tpu.dma_semaphore, #tpu.memory_space<semaphore_mem>>
      %dma_start3A = tpu.memref_slice %arg3[%mul3A_2] : memref<16384xi32, #tpu.memory_space<hbm>> -> memref<512xi32, #tpu.memory_space<hbm>>
      %dma_start3A_8 = tpu.memref_slice %arg3[%mul3A_2] : memref<16384xi32, #tpu.memory_space<hbm>> -> memref<512xi32, #tpu.memory_space<hbm>>
      tpu.enqueue_dma source(%dma_start3A_8 : memref<512xi32, #tpu.memory_space<hbm>>) target(%arg5 : memref<512xi32, #tpu.memory_space<vmem>>) target_semaphore(%run_scoped3A : memref<!tpu.dma_semaphore, #tpu.memory_space<semaphore_mem>>)
      %dma_wait3A = tpu.memref_slice %arg3[%mul3A_2] : memref<16384xi32, #tpu.memory_space<hbm>> -> memref<512xi32, #tpu.memory_space<hbm>>
      %dma_wait3A_9 = tpu.memref_slice %arg3[%mul3A_2] : memref<16384xi32, #tpu.memory_space<hbm>> -> memref<512xi32, #tpu.memory_space<hbm>>
      tpu.wait_dma2 semaphore(%run_scoped3A : memref<!tpu.dma_semaphore, #tpu.memory_space<semaphore_mem>>) src(%dma_wait3A_9 : memref<512xi32, #tpu.memory_space<hbm>>) dst(%arg5 : memref<512xi32, #tpu.memory_space<vmem>>)
      tpu.yield
    }) : () -> ()
    %scan3A = arith.constant 0 : i32
    %scan3A_3 = arith.constant 0 : i32
    %scan3A_4 = arith.constant 8 : i32
    %scan3A_5 = arith.addi %scan3A_3, %scan3A_4 : i32
    %scan3A_6 = arith.constant 1 : i32
    scf.for %scan3A_8 = %scan3A_3 to %scan3A_5 step %scan3A_6  : i32 {
      %mul3A_9 = arith.constant 64 : i32
      %mul3A_10 = arith.muli %scan3A_8, %mul3A_9 : i32
      %dma_start3A = tpu.memref_slice %arg5[%mul3A_10] : memref<512xi32, #tpu.memory_space<vmem>> -> memref<64xi32, #tpu.memory_space<vmem>>
      %dma_start3A_11 = arith.constant 0 : i32
      %dma_start3A_12 = arith.constant 0 : i32
      %dma_start3A_13 = tpu.memref_slice %arg2[%dma_start3A_11, %dma_start3A_12] : memref<100000x1024xf32, #tpu.memory_space<hbm>> -> memref<100000x1024xf32, #tpu.memory_space<hbm>>
      tpu.enqueue_indirect_dma source(%dma_start3A_13 : memref<100000x1024xf32, #tpu.memory_space<hbm>>) target(%arg6 : memref<64x1024xf32, #tpu.memory_space<vmem>>) offsets(%dma_start3A : memref<64xi32, #tpu.memory_space<vmem>>) semaphore(%arg7 : memref<!tpu.dma_semaphore, #tpu.memory_space<semaphore_mem>>)
      %dma_wait3A = tpu.memref_slice %arg5[%mul3A_10] : memref<512xi32, #tpu.memory_space<vmem>> -> memref<64xi32, #tpu.memory_space<vmem>>
      %dma_wait3A_14 = arith.constant 0 : i32
      %dma_wait3A_15 = arith.constant 0 : i32
      %dma_wait3A_16 = tpu.memref_slice %arg2[%dma_wait3A_14, %dma_wait3A_15] : memref<100000x1024xf32, #tpu.memory_space<hbm>> -> memref<100000x1024xf32, #tpu.memory_space<hbm>>
      tpu.wait_indirect_dma semaphore(%arg7 : memref<!tpu.dma_semaphore, #tpu.memory_space<semaphore_mem>>) src(%dma_wait3A_16 : memref<100000x1024xf32, #tpu.memory_space<hbm>>) dst(%arg6 : memref<64x1024xf32, #tpu.memory_space<vmem>>)
      %add3A_17 = arith.addi %mul3A_2, %mul3A_10 : i32
      "tpu.region"() ({
        %run_scoped3A = tpu.sem_alloc : memref<!tpu.dma_semaphore, #tpu.memory_space<semaphore_mem>>
        %dma_start3A_18 = arith.constant 0 : i32
        %dma_start3A_19 = tpu.memref_slice %arg4[%add3A_17, %dma_start3A_18] : memref<16384x1024xf32, #tpu.memory_space<hbm>> -> memref<64x1024xf32, #tpu.memory_space<hbm>>
        %dma_start3A_20 = arith.constant 0 : i32
        %dma_start3A_21 = tpu.memref_slice %arg4[%add3A_17, %dma_start3A_20] : memref<16384x1024xf32, #tpu.memory_space<hbm>> -> memref<64x1024xf32, #tpu.memory_space<hbm>>
        tpu.enqueue_dma source(%arg6 : memref<64x1024xf32, #tpu.memory_space<vmem>>) target(%dma_start3A_21 : memref<64x1024xf32, #tpu.memory_space<hbm>>) target_semaphore(%run_scoped3A : memref<!tpu.dma_semaphore, #tpu.memory_space<semaphore_mem>>)
        %dma_wait3A_22 = arith.constant 0 : i32
        %dma_wait3A_23 = tpu.memref_slice %arg4[%add3A_17, %dma_wait3A_22] : memref<16384x1024xf32, #tpu.memory_space<hbm>> -> memref<64x1024xf32, #tpu.memory_space<hbm>>
        %dma_wait3A_24 = arith.constant 0 : i32
        %dma_wait3A_25 = tpu.memref_slice %arg4[%add3A_17, %dma_wait3A_24] : memref<16384x1024xf32, #tpu.memory_space<hbm>> -> memref<64x1024xf32, #tpu.memory_space<hbm>>
        tpu.wait_dma2 semaphore(%run_scoped3A : memref<!tpu.dma_semaphore, #tpu.memory_space<semaphore_mem>>) src(%arg6 : memref<64x1024xf32, #tpu.memory_space<vmem>>) dst(%dma_wait3A_25 : memref<64x1024xf32, #tpu.memory_space<hbm>>)
        tpu.yield
      }) : () -> ()
    }
    %scan3A_7 = arith.constant 8 : i32
    return
  }
}

module attributes {stable_mosaic.version = 14 : i64} {
  func.func @_mlp_body(%arg0: memref<4x1xf32, #tpu.memory_space<vmem>>, %arg1: memref<256x1024xf32, #tpu.memory_space<vmem>>, %arg2: memref<1024xf32, #tpu.memory_space<vmem>>, %arg3: memref<1024x1024xf32, #tpu.memory_space<vmem>>, %arg4: memref<1024xf32, #tpu.memory_space<vmem>>, %arg5: memref<4x1024xf32, #tpu.memory_space<vmem>>) attributes {dimension_semantics = [], scalar_prefetch = 0 : i64, scratch_operands = 0 : i64, tpu.core_type = #tpu.core_type<tc>} {
    %iota3A = tpu.iota {dimensions = array<i32: 1>} : vector<4x128xi32>
    %convert_element_type3A = arith.sitofp %iota3A : vector<4x128xi32> to vector<4x128xf32>
    %mul3A = arith.constant -0.0719557852 : f32
    %mul3A_0 = vector.broadcast %mul3A : f32 to vector<4x128xf32>
    %mul3A_1 = arith.mulf %mul3A_0, %convert_element_type3A : vector<4x128xf32>
    %exp3A = math.exp %mul3A_1 : vector<4x128xf32>
    %get3A = arith.constant 0 : index
    %get3A_2 = arith.constant 0 : index
    %get3A_3 = vector.load %arg0[%get3A, %get3A_2] : memref<4x1xf32, #tpu.memory_space<vmem>>, vector<4x1xf32>
    %mul3A_4 = vector.broadcast %get3A_3 : vector<4x1xf32> to vector<4x128xf32>
    %mul3A_5 = arith.mulf %mul3A_4, %exp3A : vector<4x128xf32>
    %cos3A = math.cos %mul3A_5 : vector<4x128xf32>
    %sin3A = math.sin %mul3A_5 : vector<4x128xf32>
    %concatenate3A = tpu.concatenate %cos3A, %sin3A in 1 : vector<4x128xf32>, vector<4x128xf32> -> vector<4x256xf32>
    %get3A_6 = arith.constant 0 : index
    %get3A_7 = arith.constant 0 : index
    %get3A_8 = vector.load %arg1[%get3A_6, %get3A_7] : memref<256x1024xf32, #tpu.memory_space<vmem>>, vector<256x1024xf32>
    %dot_general3A = arith.constant dense<0.000000e+00> : vector<4x1024xf32>
    %dot_general3A_9 = tpu.matmul %concatenate3A, %get3A_8, %dot_general3A {dimension_numbers = #tpu.dot_dimension_numbers<[1], [0], [0], [1], [0, 0, 1, 1], [], []>, transpose_lhs_hint = false} : vector<4x256xf32>, vector<256x1024xf32>, vector<4x1024xf32> -> vector<4x1024xf32>
    %get3A_10 = arith.constant 0 : index
    %get3A_11 = vector.load %arg2[%get3A_10] : memref<1024xf32, #tpu.memory_space<vmem>>, vector<1024xf32>
    %broadcast_in_dim3A = vector.shape_cast %get3A_11 : vector<1024xf32> to vector<1x1024xf32>
    %add3A = vector.broadcast %broadcast_in_dim3A : vector<1x1024xf32> to vector<4x1024xf32>
    %add3A_12 = arith.addf %dot_general3A_9, %add3A : vector<4x1024xf32>
    %logistic3A = arith.negf %add3A_12 : vector<4x1024xf32>
    %logistic3A_13 = math.exp %logistic3A : vector<4x1024xf32>
    %logistic3A_14 = arith.constant 1.000000e+00 : f32
    %logistic3A_15 = vector.broadcast %logistic3A_14 : f32 to vector<4x1024xf32>
    %logistic3A_16 = arith.addf %logistic3A_15, %logistic3A_13 : vector<4x1024xf32>
    %logistic3A_17 = arith.divf %logistic3A_15, %logistic3A_16 : vector<4x1024xf32>
    %mul3A_18 = arith.mulf %add3A_12, %logistic3A_17 : vector<4x1024xf32>
    %get3A_19 = arith.constant 0 : index
    %get3A_20 = arith.constant 0 : index
    %get3A_21 = vector.load %arg3[%get3A_19, %get3A_20] : memref<1024x1024xf32, #tpu.memory_space<vmem>>, vector<1024x1024xf32>
    %dot_general3A_22 = arith.constant dense<0.000000e+00> : vector<4x1024xf32>
    %dot_general3A_23 = tpu.matmul %mul3A_18, %get3A_21, %dot_general3A_22 {dimension_numbers = #tpu.dot_dimension_numbers<[1], [0], [0], [1], [0, 0, 1, 1], [], []>, transpose_lhs_hint = false} : vector<4x1024xf32>, vector<1024x1024xf32>, vector<4x1024xf32> -> vector<4x1024xf32>
    %get3A_24 = arith.constant 0 : index
    %get3A_25 = vector.load %arg4[%get3A_24] : memref<1024xf32, #tpu.memory_space<vmem>>, vector<1024xf32>
    %broadcast_in_dim3A_26 = vector.shape_cast %get3A_25 : vector<1024xf32> to vector<1x1024xf32>
    %add3A_27 = vector.broadcast %broadcast_in_dim3A_26 : vector<1x1024xf32> to vector<4x1024xf32>
    %add3A_28 = arith.addf %dot_general3A_23, %add3A_27 : vector<4x1024xf32>
    %logistic3A_29 = arith.negf %add3A_28 : vector<4x1024xf32>
    %logistic3A_30 = math.exp %logistic3A_29 : vector<4x1024xf32>
    %logistic3A_31 = arith.constant 1.000000e+00 : f32
    %logistic3A_32 = vector.broadcast %logistic3A_31 : f32 to vector<4x1024xf32>
    %logistic3A_33 = arith.addf %logistic3A_32, %logistic3A_30 : vector<4x1024xf32>
    %logistic3A_34 = arith.divf %logistic3A_32, %logistic3A_33 : vector<4x1024xf32>
    %mul3A_35 = arith.mulf %add3A_28, %logistic3A_34 : vector<4x1024xf32>
    %swap3A = arith.constant 0 : index
    %swap3A_36 = arith.constant 0 : index
    %swap3A_37 = vector.load %arg5[%swap3A, %swap3A_36] : memref<4x1024xf32, #tpu.memory_space<vmem>>, vector<4x1024xf32>
    tpu.vector_store %arg5[%swap3A, %swap3A_36], %mul3A_35 {strides = array<i32>} : memref<4x1024xf32, #tpu.memory_space<vmem>>, vector<4x1024xf32>,
    return
  }
}

</mosaic_0001>

<sc_bundles>
// kernel: kernel.4.cloned.1.call-start
scs
__scs_entry_jumppad:
0x0: {  	(pc) =	sbr.rel $0x88, $3  }
0x1: {  	(tag) =	ssettag $0x0;
	lr =	simm.s32 $0x1  }
0x2: {  	[smem:$0x3F9A] =	sst lr;
	_ =	strace $0xD0000000  }
0x3: {  	_ = 	snop  }
0x4: {  	_ = 	snop  }
0x5: {  	_ = 	snop  }
0x6: {  	_ = 	snop  }
0x7: {  	_ = 	snop  }
__scs_overlays_trampoline_lowered:
0x8: {  	[smem:$0x3FA9] =	sst s0  }
0x9: {  	[smem:$0x3FAA] =	sst s1  }
0xa: {  	[smem:$0x3FAB] =	sst s2  }
0xb: {  	[smem:$0x3FAC] =	sst s3  }
0xc: {  	[smem:$0x3FAD] =	sst s4  }
0xd: {  	[smem:$0x3FAE] =	sst s5  }
0xe: {  	[smem:$0x3FAF] =	sst s6  }
0xf: {  	[smem:$0x3FB0] =	sst s7  }
0x10: {  	[smem:$0x3FB1] =	sst s8  }
0x11: {  	[smem:$0x3FB2] =	sst s9;
	s0 =	simm.s32 @!p0 $0x0  }
0x12: {  	s1 =	sld [smem:$0x3F98];
	s0 =	simm.s32 @p0 $0x1  }
0x13: {  	[smem:$0x3FB3] =	sst s0;
	s0 =	simm.s32 @!p1 $0x0  }
0x14: {  	s2 =	sld [smem:$0x3F97];
	s0 =	simm.s32 @p1 $0x1  }
0x15: {  	[smem:$0x3FB4] =	sst s0;
	s0 =	simm.s32 @!p2 $0x0  }
0x16: {  	s3 =	sld [smem:$0x3FDB];
	s0 =	simm.s32 @p2 $0x1  }
0x17: {  	s4 =	simm.s32 $0x1BF5;
	[smem:$0x3FB6] =	sst s0  }
0x18: {  	s0 =	sld [smem:$0x3F99];
	_ =	swait.ge [sflag:s4], $0x0  }
0x19: {  	s7 =	sld [smem:$0x3F9A]  }
0x1a: {  	s8 =	sadd.s32 $0xFFFFE003, lr  }
0x1b: {  	s9 =	sadd.s32 $0xFFFFFEF7, lr;
	s5 =	simm.s32 $0xFFFFFFFF;
	p2 =	slt.u32 s8, $0xFFFFF086  }
0x1c: {  	p1 =	slt.u32 s9, $0xF7A;
	s5 =	simm.s32 @!p2 $0x0  }
0x1d: {  	s5 =	simm.s32 @p1 $0x1;
	p0 =	seq.s32 s7, s2  }
0x1e: {  	s7 =	smul.u32 @!p0 $0xF7A, s2;
	p2 =	seq.s32 @!p0 s5, $0x0  }
0x1f: {  	s9 =	smul.u32 $0xF7A, s1;
	s8 =	simm.s32 @!p0 $0x1BF5;
	p2 =	por !p2, p0  }
0x20: {  	[sflag:s8] =	ssyncset.s32 @!p0 $0xFFFFF086;
	s6 =	sadd.s32 @!p0 s3, s7;
	s7 =	simm.s32 @!p0 $0x108  }
0x21: {  	s3 =	sadd.s32 s3, s9;
	s6 =	sadd.s32 @!p0 $0x88, s6;
	s7 =	simm.s32 @p2 $0x1082  }
0x22: {  	[simem:s7], [sflag:s8] =	dma.local @!p0 [hbm:s6], $0xF7A  }
0x23: {  	s9 =	sor.u32 $0xD0000000, s2;
	s6 =	simm.s32 $0x108;
	_ =	swait.ge @!p0 [sflag:s8], $0x0  }
0x24: {  	s3 =	sadd.s32 $0x88, s3;
	s6 =	simm.s32 @!p1 $0x1082;
	[sflag:s4] =	ssyncset.s32 $0xFFFFF086  }
0x25: {  	[simem:s6], [sflag:s4] =	dma.local [hbm:s3], $0xF7A  }
0x26: {  	[smem:$0x3F9A] =	sst s1;
	(tag) =	ssettag s2;
	_ =	strace s9  }
0x27: {  	s1 =	sld [smem:$0x3FAA]  }
0x28: {  	s2 =	sld [smem:$0x3FAB]  }
0x29: {  	s4 =	sld [smem:$0x3FAD]  }
0x2a: {  	p0 =	seq.s32 s5, $0x0;
	s5 =	sld [smem:$0x3FAE]  }
0x2b: {  	s6 =	sld [smem:$0x3FAF]  }
0x2c: {  	s7 =	sld [smem:$0x3FB0]  }
0x2d: {  	s3 =	simm.s32 $0x108;
	s8 =	sld [smem:$0x3FB1]  }
0x2e: {  	s3 =	simm.s32 @!p0 $0x1082;
	s9 =	sld [smem:$0x3FB2]  }
0x2f: {  	lr =	sadd.s32 s0, s3;
	s0 =	sld [smem:$0x3FA9]  }
0x30: {  	s3 =	sld [smem:$0x3FAC]  }
0x31: {  	[smem:$0x3FB5] =	sst s10  }
0x32: {  	s10 =	sld [smem:$0x3FB3];
	_ =	sdelay $0x3  }
0x33: {  	p0 =	seq.s32 s10, $0x1;
	s10 =	sld [smem:$0x3FB5];
	_ =	sdelay $0x3  }
0x34: {  	[smem:$0x3FB5] =	sst s10  }
0x35: {  	s10 =	sld [smem:$0x3FB4];
	_ =	sdelay $0x3  }
0x36: {  	p1 =	seq.s32 s10, $0x1;
	s10 =	sld [smem:$0x3FB5];
	_ =	sdelay $0x3  }
0x37: {  	[smem:$0x3FB5] =	sst s10  }
0x38: {  	s10 =	sld [smem:$0x3FB6]  }
0x39: {  	_ = 	snop;
	(pc) =	sbr.ind lr, $3  }
0x3a: {  	_ = 	snop  }
0x3b: {  	_ = 	snop  }
0x3c: {  	p2 =	seq.s32 s10, $0x1;
	s10 =	sld [smem:$0x3FB5]  }
0x3d: {  	_ =	shalt  }
0x3e: {  	_ =	shalt  }
0x3f: {  	_ =	shalt  }
0x40: {  	_ =	shalt  }
0x41: {  	_ =	shalt  }
0x42: {  	_ =	shalt  }
0x43: {  	_ =	shalt  }
0x44: {  	_ =	shalt  }
0x45: {  	_ =	shalt  }
0x46: {  	_ =	shalt  }
0x47: {  	_ =	shalt  }
0x48: {  	_ =	shalt  }
0x49: {  	_ =	shalt  }
0x4a: {  	_ =	shalt  }
0x4b: {  	_ =	shalt  }
0x4c: {  	_ =	shalt  }
0x4d: {  	_ =	shalt  }
0x4e: {  	_ =	shalt  }
0x4f: {  	_ =	shalt  }
0x50: {  	_ =	shalt  }
0x51: {  	_ =	shalt  }
0x52: {  	_ =	shalt  }
0x53: {  	_ =	shalt  }
0x54: {  	_ =	shalt  }
0x55: {  	_ =	shalt  }
0x56: {  	_ =	shalt  }
0x57: {  	_ =	shalt  }
0x58: {  	_ =	shalt  }
0x59: {  	_ =	shalt  }
0x5a: {  	_ =	shalt  }
0x5b: {  	_ =	shalt  }
0x5c: {  	_ =	shalt  }
0x5d: {  	_ =	shalt  }
0x5e: {  	_ =	shalt  }
0x5f: {  	_ =	shalt  }
0x60: {  	_ =	shalt  }
0x61: {  	_ =	shalt  }
0x62: {  	_ =	shalt  }
0x63: {  	_ =	shalt  }
0x64: {  	_ =	shalt  }
0x65: {  	_ =	shalt  }
0x66: {  	_ =	shalt  }
0x67: {  	_ =	shalt  }
0x68: {  	_ =	shalt  }
0x69: {  	_ =	shalt  }
0x6a: {  	_ =	shalt  }
0x6b: {  	_ =	shalt  }
0x6c: {  	_ =	shalt  }
0x6d: {  	_ =	shalt  }
0x6e: {  	_ =	shalt  }
0x6f: {  	_ =	shalt  }
0x70: {  	_ =	shalt  }
0x71: {  	_ =	shalt  }
0x72: {  	_ =	shalt  }
0x73: {  	_ =	shalt  }
0x74: {  	_ =	shalt  }
0x75: {  	_ =	shalt  }
0x76: {  	_ =	shalt  }
0x77: {  	_ =	shalt  }
0x78: {  	_ =	shalt  }
0x79: {  	_ =	shalt  }
0x7a: {  	_ =	shalt  }
0x7b: {  	_ =	shalt  }
0x7c: {  	_ =	shalt  }
0x7d: {  	_ =	shalt  }
0x7e: {  	_ =	shalt  }
0x7f: {  	_ =	shalt  }
0x80: {  	_ =	shalt  }
0x81: {  	_ =	shalt  }
0x82: {  	_ =	shalt  }
0x83: {  	_ =	shalt  }
0x84: {  	_ =	shalt  }
0x85: {  	_ =	shalt  }
0x86: {  	_ =	shalt  }
0x87: {  	_ =	shalt  }
.Lfunc_end0:
.L_simem_size_0:
called_computation_lowered:
.L_overlay_start_0:
0x88: {  	s2 =	sld [smem:$0x3FD9]  }
0x89: {  	s3 =	sld [smem:$0x3FFE];
	_ =	sdelay $0x1  }
0x8a: {  	s1 =	srdreg.scid  }
0x8b: {  	s0 =	sand.u32 $0x1, s1  }
0x8c: {  	s14 =	sshll.u32 s0, $0xA;
	s2 =	sadd.s32 s3, s2  }
0x8d: {  	s2 =	sadd.s32 s2, s14  }
0x8e: {  	[smem:$0x3FC1] =	sst s2  }
0x8f: {  	_ = 	snop  }
0x90: {  	s2 =	sld [smem:$0x3FD0];
	_ =	sdelay $0x2  }
0x91: {  	s4 =	simm.s32 $0xA;
	s5 =	simm.s32 $0x10;
	s15 =	sld [smem:$0x3FC7]  }
0x92: {  	[smem:s5], [sflag:s4] =	dma.local [hbm:s2], $0x1  }
0x93: {  	_ =	swait.eq [sflag:s4], $0x1  }
0x94: {  	[sflag:s4] =	ssyncset.done $0x0  }
0x95: {  	[sflag:s4] =	ssyncadd.s32 $0xFFFFFFFF  }
0x96: {  	s16 =	sld [smem:$0x10];
	(tm) =	ssettm $0x1  }
0x97: {  	s17 =	sld [smem:$0x3FFB];
	_ =	sdelay $0x3  }
0x98: {  	_ =	strace s17  }
0x99: {  	s4 =	sld [smem:$0x3FFC];
	_ =	sdelay $0x3  }
0x9a: {  	_ =	strace s4  }
0x9b: {  	s4 =	sld [smem:$0x3FFD];
	_ =	sdelay $0x3  }
0x9c: {  	_ =	strace s4  }
0x9d: {  	_ =	strace $0x8FFFFFFF  }
0x9e: {  	s18 =	sld [smem:$0x3FDB];
	_ =	sdelay $0x1  }
0x9f: {  	s19 =	simm.s32 $_scs_section_size  }
0xa0: {  	s6 =	simm.s32 $_size__tile_overlayer_lowered;
	s7 =	simm.s32 $_tile_overlayer_lowered  }
0xa1: {  	s22 =	simm.s32 $0x1BFF;
	s21 =	sshll.u32 s7, $0x1;
	s4 =	sadd.s32 s19, s18  }
0xa2: {  	s8 =	simm.s32 $0x0;
	s20 =	sshll.u32 s6, $0x1;
	s6 =	sadd.s32 s21, s4  }
0xa3: {  	[timem:s8], [sflag:s22] =	dma.local [hbm:s6], s20  }
0xa4: {  	_ =	swait.ge [sflag:s22], s20  }
0xa5: {  	s5 =	ssub.s32 $0x0, s20;
	[sflag:s22] =	ssyncset.done $0x0  }
0xa6: {  	[sflag:s22] =	ssyncadd.s32 s5;
	_ =	sdelay $0x1  }
0xa7: {  	s23 =	simm.s32 $0x1B8B  }
0xa8: {  	_ =	swait.ge [sflag:s23], $0x1  }
0xa9: {  	[sflag:s23] =	ssyncset.done $0x0  }
0xaa: {  	s25 =	simm.s32 $0x1B8E;
	s24 =	sld [smem:$0x3FFE];
	[sflag:s23] =	ssyncadd.s32 $0xFFFFFFFF  }
0xab: {  	s26 =	simm.s32 $execute0_lowered;
	[smem:$0x3FD2] =	sst s25  }
0xac: {  	s6 =	sshll.u32 s26, $0x1;
	_ =	strace $0x80000046;
	[dreg:$0x1] =	wrdreg $0xFFFFFFFF  }
0xad: {  	s28 =	simm.s32 $_size_execute0_lowered;
	s4 =	sadd.s32 s4, s6;
	[dreg:$0x0] =	wrdreg $0x0  }
0xae: {  	s6 =	sshll.u32 s28, $0x1;
	[dreg:$0x2] =	wrdreg s4  }
0xaf: {  	[dreg:$0x3] =	wrdreg s6  }
0xb0: {  	[dreg:$0x4] =	wrdreg $0xC0  }
0xb1: {  	_ =	task [dreg:s8], $0x5FFFF  }
0xb2: {  	[dreg:$0x1] =	wrdreg $0xFFFFFFFF  }
0xb3: {  	[dreg:$0x0] =	wrdreg $0x60  }
0xb4: {  	[dreg:$0x2] =	wrdreg s15  }
0xb5: {  	[dreg:$0x3] =	wrdreg s24  }
0xb6: {  	[dreg:$0x4] =	wrdreg s16  }
0xb7: {  	[dreg:$0x5] =	wrdreg $0x9  }
0xb8: {  	_ =	task.clear_ibuf [dreg:s8], $0x6FFFF;
	_ =	strace $0x90000046  }
0xb9: {  	s29 =	simm.s32 $0x9;
	_ =	strace $0x80000048  }
0xba: {  	_ =	swait.ge [sflag:s29], $0x1  }
0xbb: {  	[sflag:s29] =	ssyncadd.s32 $0xFFFFFFFF  }
0xbc: {  	_ =	strace $0x90000048  }
0xbd: {  	_ =	sfence  }
0xbe: {  	s30 =	sld [smem:$0x0];
	_ =	sdelay $0x2  }
0xbf: {  	s31 =	sshll.u32 s1, $0xD;
	s1 =	sshrl.u32 s1, $0x2  }
0xc0: {  	s3 =	sand.u32 $0x4000, s31;
	s1 =	sadd.s32 s1, s30  }
0xc1: {  	s0 =	sor.u32 s3, s0;
	s1 =	sshll.u32 s1, $0x11  }
0xc2: {  	s0 =	sor.u32 s1, s0  }
0xc3: {  	s0 =	sadd.s32 $0x8F2B, s0  }
0xc4: {  	[sflag:s0] =	ssyncadd.remote.s32 $0x1  }
0xc5: {  	_ =	sfence.sel $0xFFFF  }
0xc6: {  	[dreg:$0x0] =	wrdreg $0xFFFFFFFF;
	(pc) =	sbr.abs _section_cstart, $3  }
0xc7: {  	[dreg:$0x1] =	wrdreg $0xFFFFFFFF  }
0xc8: {  	_ =	task.clear_ibuf [dreg:s8], $0x2FFFF;
	_ =	strace $0x9FFFFFFF  }
0xc9: {  	(tm) =	ssettm $0x7FFFFFFF  }
tec
execute0_lowered:
.L_overlay_start_1:
0x0: {  	(tag) =	ssettag $0x1  }
0x1: {  	s1 =	rddreg [dreg:$0x0]  }
0x2: {  	s0 =	rddreg [dreg:$0x1]  }
0x3: {  	s2 =	rddreg [dreg:$0x2];
	s3 =	simm.s32 $0x0;
	s4 =	srdreg.scid  }
0x4: {  	s6 =	stileid.u32;
	s12 =	simm.s32 $0xA00;
	[smem:$0x7FF] =	sst s3  }
0x5: {  	s13 =	simm.s32 $0x1200;
	_ =	strace $0x80000047;
	[dreg:$0x5] =	wrdreg s12  }
0x6: {  	s14 =	simm.s32 $0x1A00;
	s15 =	simm.s32 $0x2200;
	[dreg:$0x6] =	wrdreg s13  }
0x7: {  	s17 =	simm.s32 $0x2A00;
	s18 =	simm.s32 $0x3200;
	[dreg:$0x7] =	wrdreg s14  }
0x8: {  	s19 =	simm.s32 $0x3A00;
	s20 =	simm.s32 $0x4200;
	[dreg:$0x8] =	wrdreg s15  }
0x9: {  	s21 =	simm.s32 $0x4A00;
	s22 =	simm.s32 $0x5200;
	[dreg:$0x9] =	wrdreg s17  }
0xa: {  	s24 =	simm.s32 $0x5A00;
	s9 =	simm.s32 $0x2;
	[dreg:$0xa] =	wrdreg s18  }
0xb: {  	s25 =	simm.s32 $0x6200;
	s26 =	simm.s32 $0x6A00;
	[dreg:$0xb] =	wrdreg s19  }
0xc: {  	s28 =	simm.s32 $0xF200;
	s29 =	simm.s32 $0xFA00;
	[dreg:$0xc] =	wrdreg s20  }
0xd: {  	s30 =	simm.s32 $0x1;
	s31 =	simm.s32 $0x0;
	[dreg:$0xd] =	wrdreg s21  }
0xe: {  	s4 =	sand.u32 $0x1, s4;
	s5 =	sshll.u32 s6, $0x11;
	[dreg:$0xe] =	wrdreg s22  }
0xf: {  	s6 =	sshll.u32 s6, $0xA;
	s2 =	sadd.s32 s5, s2;
	[dreg:$0xf] =	wrdreg s24  }
0x10: {  	s10 =	sshll.u32 s4, $0x10;
	s7 =	sshll.u32 s4, $0x9;
	[dreg:$0x10] =	wrdreg s25  }
0x11: {  	s4 =	ssub.s32 $0x2, s4;
	[dreg:$0x11] =	wrdreg s26;
	s12 =	simm.s32 $0x7A00  }
0x12: {  	s13 =	simm.s32 $0x8200;
	s14 =	simm.s32 $0x8A00;
	s15 =	simm.s32 $0x9200  }
0x13: {  	s17 =	simm.s32 $0xA200;
	s18 =	simm.s32 $0xAA00;
	s19 =	simm.s32 $0xB200  }
0x14: {  	s20 =	simm.s32 $0xBA00;
	s21 =	simm.s32 $0xC200;
	s22 =	simm.s32 $0xCA00  }
0x15: {  	s24 =	simm.s32 $0xDA00;
	s25 =	simm.s32 $0xE200;
	s26 =	simm.s32 $0xEA00  }
0x16: {  	s2 =	sadd.s32 s10, s2;
	s11 =	sor.u32 s7, s6;
	s16 =	sshrl.u32 s4, $0x1  }
0x17: {  	s6 =	sadd.s32 $0x200, s1;
	s7 =	sadd.s32 $0x300, s1;
	s10 =	simm.s32 $0x200  }
0x18: {  	[dreg:$0x4] =	wrdreg s2;
	s5 =	sshrl.u32 s11, $0x3;
	s8 =	ssub.s32 s4, s16  }
0x19: {  	v2 =	vlaneseq.u32;
	s11 =	simm.s32 $0x7200;
	s0 =	sadd.s32 s5, s0;
	s23 =	smax.u32 s8, $0x1  }
0x1a: {  	vm0 =	vmmov $0xffff;
	v1 =	vshrl.u32 v2, $0x3;
	s16 =	simm.s32 $0x9A00;
	s0 =	sadd.s32 $0xE00, s0;
	[dreg:$0x13] =	wrdreg s23  }
0x1b: {  	v0 =	vand.u32 $0x7, v2;
	v2 =	vor.u32 $0x8, v2;
	v1 =	vmul.u32 $0x8, v1;
	s5 =	sadd.s32 $0x100, s1;
	s23 =	simm.s32 $0xD200;
	[dreg:$0x12] =	wrdreg s0  }
.LBB2_1:
0x1c: {  	s0 =	rddreg [dreg:$0x12]  }
0x1d: {  	[tilespmem:s3], [sflag:$0x2] =	stream.linear.gather [hbm4b:s0+s3], $0x200, $0x38;
	[tilespmem:$0x10200] =	vst v63  }
0x1e: {  	_ =	swait.ge [sflag:s9], $0x200  }
0x1f: {  	[sflag:s9] =	ssyncset.done $0x0  }
0x20: {  	s2 =	simm.s32 $0x0;
	s0 =	simm.s32 $0x20;
	[sflag:s9] =	ssyncadd.s32 $0xFFFFFE00  }
.LBB2_2:
0x21: {  	v3 =	vld [tilespmem:s0+$0xFFFFFFE0];
	_ =	sdelay $0x4  }
0x22: {  	v4 =	vshll.u32 v3, $0x3  }
0x23: {  	v3 =	vand.u32 $0x7, v3;
	v4 =	vand.u32 $0xFFFFFFC0, v4  }
0x24: {  	v3 =	vor.u32 v3, v4  }
0x25: {  	v4 =	vperm.xlane v3, v0;
	_ =	sdelay $0x1  }
0x26: {  	v4 =	vadd.s32 v1, v4;
	_ =	sdelay $0x4  }
0x27: {  	[tilespmem:s10], [sflag:$0x1] =	stream.indirect_vreg.gather [hbm4b:s1+s3], $0x80, v4, vm0, $0xb8;
	[tilespmem:$0x10200] =	vst v63  }
0x28: {  	s4 =	rddreg [dreg:$0x5];
	v3 =	vperm.xlane v3, v2  }
0x29: {  	[tilespmem:s4], [sflag:$0x1] =	stream.indirect_vreg.gather [hbm4b:s5+s3], $0x80, v4, vm0, $0xb8;
	[tilespmem:$0x10200] =	vst v63  }
0x2a: {  	s8 =	rddreg [dreg:$0x6];
	v3 =	vadd.s32 v1, v3  }
0x2b: {  	[tilespmem:s8], [sflag:$0x1] =	stream.indirect_vreg.gather [hbm4b:s6+s3], $0x80, v4, vm0, $0xb8;
	[tilespmem:$0x10200] =	vst v63  }
0x2c: {  	s4 =	rddreg [dreg:$0x7]  }
0x2d: {  	[tilespmem:s4], [sflag:$0x1] =	stream.indirect_vreg.gather [hbm4b:s7+s3], $0x80, v4, vm0, $0xb8;
	[tilespmem:$0x10200] =	vst v63  }
0x2e: {  	s8 =	rddreg [dreg:$0x8]  }
0x2f: {  	[tilespmem:s8], [sflag:$0x1] =	stream.indirect_vreg.gather [hbm4b:s1+s3], $0x80, v3, vm0, $0xb8;
	[tilespmem:$0x10200] =	vst v63  }
0x30: {  	s4 =	rddreg [dreg:$0x9]  }
0x31: {  	[tilespmem:s4], [sflag:$0x1] =	stream.indirect_vreg.gather [hbm4b:s5+s3], $0x80, v3, vm0, $0xb8;
	[tilespmem:$0x10200] =	vst v63  }
0x32: {  	s8 =	rddreg [dreg:$0xa]  }
0x33: {  	[tilespmem:s8], [sflag:$0x1] =	stream.indirect_vreg.gather [hbm4b:s6+s3], $0x80, v3, vm0, $0xb8;
	[tilespmem:$0x10200] =	vst v63  }
0x34: {  	s4 =	rddreg [dreg:$0xb]  }
0x35: {  	[tilespmem:s4], [sflag:$0x1] =	stream.indirect_vreg.gather [hbm4b:s7+s3], $0x80, v3, vm0, $0xb8;
	[tilespmem:$0x10200] =	vst v63  }
0x36: {  	v3 =	vld [tilespmem:s0+$0xFFFFFFF0];
	_ =	sdelay $0x4  }
0x37: {  	v61 =	vshll.u32 v3, $0x3  }
0x38: {  	v3 =	vand.u32 $0x7, v3;
	v4 =	vand.u32 $0xFFFFFFC0, v61  }
0x39: {  	v3 =	vor.u32 v3, v4  }
0x3a: {  	v4 =	vperm.xlane v3, v0;
	_ =	sdelay $0x1  }
0x3b: {  	v4 =	vadd.s32 v1, v4;
	_ =	sdelay $0x3  }
0x3c: {  	s4 =	rddreg [dreg:$0xc]  }
0x3d: {  	[tilespmem:s4], [sflag:$0x1] =	stream.indirect_vreg.gather [hbm4b:s1+s3], $0x80, v4, vm0, $0xb8;
	[tilespmem:$0x10200] =	vst v63  }
0x3e: {  	s8 =	rddreg [dreg:$0xd];
	v3 =	vperm.xlane v3, v2  }
0x3f: {  	[tilespmem:s8], [sflag:$0x1] =	stream.indirect_vreg.gather [hbm4b:s5+s3], $0x80, v4, vm0, $0xb8;
	[tilespmem:$0x10200] =	vst v63  }
0x40: {  	v3 =	vadd.s32 v1, v3;
	s4 =	rddreg [dreg:$0xe]  }
0x41: {  	[tilespmem:s4], [sflag:$0x1] =	stream.indirect_vreg.gather [hbm4b:s6+s3], $0x80, v4, vm0, $0xb8;
	[tilespmem:$0x10200] =	vst v63  }
0x42: {  	s8 =	rddreg [dreg:$0xf]  }
0x43: {  	[tilespmem:s8], [sflag:$0x1] =	stream.indirect_vreg.gather [hbm4b:s7+s3], $0x80, v4, vm0, $0xb8;
	[tilespmem:$0x10200] =	vst v63  }
0x44: {  	s4 =	rddreg [dreg:$0x10]  }
0x45: {  	[tilespmem:s4], [sflag:$0x1] =	stream.indirect_vreg.gather [hbm4b:s1+s3], $0x80, v3, vm0, $0xb8;
	[tilespmem:$0x10200] =	vst v63  }
0x46: {  	s8 =	rddreg [dreg:$0x11]  }
0x47: {  	[tilespmem:s8], [sflag:$0x1] =	stream.indirect_vreg.gather [hbm4b:s5+s3], $0x80, v3, vm0, $0xb8;
	[tilespmem:$0x10200] =	vst v63  }
0x48: {  	_ = 	snop  }
0x49: {  	[tilespmem:s11], [sflag:$0x1] =	stream.indirect_vreg.gather [hbm4b:s6+s3], $0x80, v3, vm0, $0xb8;
	[tilespmem:$0x10200] =	vst v63  }
0x4a: {  	_ = 	snop  }
0x4b: {  	[tilespmem:s12], [sflag:$0x1] =	stream.indirect_vreg.gather [hbm4b:s7+s3], $0x80, v3, vm0, $0xb8;
	[tilespmem:$0x10200] =	vst v63  }
0x4c: {  	v3 =	vld [tilespmem:s0+$0x0];
	_ =	sdelay $0x4  }
0x4d: {  	v62 =	vshll.u32 v3, $0x3  }
0x4e: {  	v3 =	vand.u32 $0x7, v3;
	v4 =	vand.u32 $0xFFFFFFC0, v62  }
0x4f: {  	v3 =	vor.u32 v3, v4  }
0x50: {  	v4 =	vperm.xlane v3, v0;
	_ =	sdelay $0x1  }
0x51: {  	v4 =	vadd.s32 v1, v4;
	_ =	sdelay $0x4  }
0x52: {  	[tilespmem:s13], [sflag:$0x1] =	stream.indirect_vreg.gather [hbm4b:s1+s3], $0x80, v4, vm0, $0xb8;
	[tilespmem:$0x10200] =	vst v63  }
0x53: {  	v3 =	vperm.xlane v3, v2  }
0x54: {  	[tilespmem:s14], [sflag:$0x1] =	stream.indirect_vreg.gather [hbm4b:s5+s3], $0x80, v4, vm0, $0xb8;
	[tilespmem:$0x10200] =	vst v63  }
0x55: {  	v3 =	vadd.s32 v1, v3  }
0x56: {  	[tilespmem:s15], [sflag:$0x1] =	stream.indirect_vreg.gather [hbm4b:s6+s3], $0x80, v4, vm0, $0xb8;
	[tilespmem:$0x10200] =	vst v63  }
0x57: {  	_ = 	snop  }
0x58: {  	[tilespmem:s16], [sflag:$0x1] =	stream.indirect_vreg.gather [hbm4b:s7+s3], $0x80, v4, vm0, $0xb8;
	[tilespmem:$0x10200] =	vst v63  }
0x59: {  	_ = 	snop  }
0x5a: {  	[tilespmem:s17], [sflag:$0x1] =	stream.indirect_vreg.gather [hbm4b:s1+s3], $0x80, v3, vm0, $0xb8;
	[tilespmem:$0x10200] =	vst v63  }
0x5b: {  	_ = 	snop  }
0x5c: {  	[tilespmem:s18], [sflag:$0x1] =	stream.indirect_vreg.gather [hbm4b:s5+s3], $0x80, v3, vm0, $0xb8;
	[tilespmem:$0x10200] =	vst v63  }
0x5d: {  	_ = 	snop  }
0x5e: {  	[tilespmem:s19], [sflag:$0x1] =	stream.indirect_vreg.gather [hbm4b:s6+s3], $0x80, v3, vm0, $0xb8;
	[tilespmem:$0x10200] =	vst v63  }
0x5f: {  	_ = 	snop  }
0x60: {  	[tilespmem:s20], [sflag:$0x1] =	stream.indirect_vreg.gather [hbm4b:s7+s3], $0x80, v3, vm0, $0xb8;
	[tilespmem:$0x10200] =	vst v63  }
0x61: {  	v3 =	vld [tilespmem:s0+$0x10];
	_ =	sdelay $0x4  }
0x62: {  	v63 =	vshll.u32 v3, $0x3  }
0x63: {  	v3 =	vand.u32 $0x7, v3;
	v4 =	vand.u32 $0xFFFFFFC0, v63  }
0x64: {  	v3 =	vor.u32 v3, v4  }
0x65: {  	v4 =	vperm.xlane v3, v0;
	_ =	sdelay $0x1  }
0x66: {  	v4 =	vadd.s32 v1, v4;
	_ =	sdelay $0x4  }
0x67: {  	[tilespmem:s21], [sflag:$0x1] =	stream.indirect_vreg.gather [hbm4b:s1+s3], $0x80, v4, vm0, $0xb8;
	[tilespmem:$0x10200] =	vst v63  }
0x68: {  	v3 =	vperm.xlane v3, v2  }
0x69: {  	[tilespmem:s22], [sflag:$0x1] =	stream.indirect_vreg.gather [hbm4b:s5+s3], $0x80, v4, vm0, $0xb8;
	[tilespmem:$0x10200] =	vst v63  }
0x6a: {  	v3 =	vadd.s32 v1, v3  }
0x6b: {  	[tilespmem:s23], [sflag:$0x1] =	stream.indirect_vreg.gather [hbm4b:s6+s3], $0x80, v4, vm0, $0xb8;
	[tilespmem:$0x10200] =	vst v63  }
0x6c: {  	_ = 	snop  }
0x6d: {  	[tilespmem:s24], [sflag:$0x1] =	stream.indirect_vreg.gather [hbm4b:s7+s3], $0x80, v4, vm0, $0xb8;
	[tilespmem:$0x10200] =	vst v63  }
0x6e: {  	_ = 	snop  }
0x6f: {  	[tilespmem:s25], [sflag:$0x1] =	stream.indirect_vreg.gather [hbm4b:s1+s3], $0x80, v3, vm0, $0xb8;
	[tilespmem:$0x10200] =	vst v63  }
0x70: {  	_ = 	snop  }
0x71: {  	[tilespmem:s26], [sflag:$0x1] =	stream.indirect_vreg.gather [hbm4b:s5+s3], $0x80, v3, vm0, $0xb8;
	[tilespmem:$0x10200] =	vst v63  }
0x72: {  	_ = 	snop  }
0x73: {  	[tilespmem:s28], [sflag:$0x1] =	stream.indirect_vreg.gather [hbm4b:s6+s3], $0x80, v3, vm0, $0xb8;
	[tilespmem:$0x10200] =	vst v63  }
0x74: {  	_ = 	snop  }
0x75: {  	[tilespmem:s29], [sflag:$0x1] =	stream.indirect_vreg.gather [hbm4b:s7+s3], $0x80, v3, vm0, $0xb8;
	[tilespmem:$0x10200] =	vst v63  }
0x76: {  	_ =	swait.ge [sflag:s30], $0x10000  }
0x77: {  	p0 =	sne.s32 s2, $0xE000;
	s8 =	rddreg [dreg:$0x4];
	[sflag:s30] =	ssyncset.done $0x0  }
.Ltmp0:
0x78: {  	[sflag:s30] =	ssyncadd.s32 $0xFFFF0000;
	s4 =	sadd.s32 s2, s8;
	(pc) =	sbr.rel @p0 .LBB2_2-.Ltmp0, $4  }
0x79: {  	[hbm4b:s4+s3] =	stream.linear.scatter [tilespmem:s10], [sflag:$0x2], $0x10000, $0x38;
	[tilespmem:$0x10200] =	vst v63  }
0x7a: {  	_ =	swait.ge [sflag:s9], $0x10000  }
0x7b: {  	[sflag:s9] =	ssyncset.done $0x0  }
0x7c: {  	s0 =	sadd.s32 $0x40, s0;
	s2 =	sadd.s32 $0x2000, s2;
	[sflag:s9] =	ssyncadd.s32 $0xFFFF0000  }
0x7d: {  	s31 =	sadd.s32 $0x1, s31;
	s0 =	rddreg [dreg:$0x13]  }
0x7e: {  	p0 =	sne.s32 s31, s0  }
.Ltmp1:
0x7f: {  	_ = 	snop;
	(pc) =	sbr.rel @p0 .LBB2_1-.Ltmp1, $1  }
0x80: {  	_ =	sdelay $0x3  }
0x81: {  	_ =	sfence.sel $0x180000  }
0x82: {  	[bflag:$0x0] =	sbarrier.arrive $0xFFFF  }
0x83: {  	_ =	strace $0x90000047  }
0x84: {  	s0 =	stileid.u32;
	[bflag:$0x2] =	sbarrier.arrive $0xFFFF  }
0x85: {  	p0 =	sne.s32 s0, $0x0;
	s0 =	rddreg [dreg:$0x3]  }
0x86: {  	s0 =	sadd.s32 @!p0 $0x100000, s0  }
0x87: {  	[sflag:s0] =	ssyncadd.tile.s32 @!p0 $0x1;
	_ =	shalt  }
.Lfunc_end2:
_tile_overlayer_lowered:
.L_overlay_start_2:
0x88: {  	(tag) =	ssettag $0x2  }
0x89: {  	s0 =	rddreg [dreg:$0x0];
	s2 =	stileid.u32  }
0x8a: {  	s1 =	rddreg [dreg:$0x1];
	p0 =	sne.s32 s2, $0x0  }
0x8b: {  	s3 =	rddreg [dreg:$0x2];
	[bflag:$0x3] =	sbarrier.arrive $0xFFFF;
	s2 =	simm.s32 @!p0 $0x1C02  }
0x8c: {  	[timem:s3], [sflag:s2] =	dma.local @!p0 [hbm:s0], s1  }
0x8d: {  	s0 =	simm.s32 @!p0 $0x2  }
0x8e: {  	_ =	swait.ge @!p0 [sflag:s0], s1  }
0x8f: {  	s1 =	ssub.s32 @!p0 $0x0, s1;
	[sflag:s0] =	ssyncset.done @!p0 $0x0  }
0x90: {  	[sflag:s0] =	ssyncadd.s32 @!p0 s1  }
0x91: {  	[bflag:$0x3] =	sbarrier.arrive $0xFFFF  }
0x92: {  	_ =	shalt  }

</sc_bundles>
